<compile_context>
chip_gen: v7x
topology: tpu7x:2x2x1
jax: 0.10.2.dev20260603
libtpu: 0.0.44.dev20260713+nightly
codegen_flags: <defaults>
</compile_context>

<pallas_src>
import functools

import jax
import jax.numpy as jnp
import numpy as np
from jax import lax
from jax.experimental import pallas as pl
from jax.experimental.pallas import tpu as pltpu
from jax.experimental.pallas import tpu_sc as plsc

_VOCAB_SIZES = [100003, 100019, 100043, 100049, 100057, 100069, 100103, 100109]
_OFFSETS = np.cumsum([0] + _VOCAB_SIZES[:-1]).astype(np.int32)

_NUM_CORES = 2
_NUM_SUBCORES = 16
_NUM_WORKERS = _NUM_CORES * _NUM_SUBCORES
_LANES = 16
_GATHER_CHUNK = 128


@functools.partial(jax.jit, static_argnames=("n", "d"))
def _mhe_lookup(flat_ids, offsets16, table, *, n, d):
    n_per_w = n // _NUM_WORKERS
    n_chunks = n_per_w // _GATHER_CHUNK
    mesh = plsc.VectorSubcoreMesh(core_axis_name="c", subcore_axis_name="s")

    @functools.partial(
        pl.kernel,
        mesh=mesh,
        out_type=jax.ShapeDtypeStruct((n, d), jnp.float32),
        scratch_types=[
            pltpu.VMEM((n_per_w,), jnp.int32),
            pltpu.VMEM((_LANES,), jnp.int32),
            pltpu.VMEM((n_per_w, d), jnp.float32),
            pltpu.SemaphoreType.DMA,
        ],
        compiler_params=pltpu.CompilerParams(use_tc_tiling_on_sc=False),
    )
    def k(ids_hbm, off_hbm, table_hbm, out_hbm, idx_v, off_v, rows_v, sem):
        wid = lax.axis_index("s") * _NUM_CORES + lax.axis_index("c")
        base = wid * n_per_w
        pltpu.sync_copy(ids_hbm.at[pl.ds(base, n_per_w)], idx_v)
        pltpu.sync_copy(off_hbm, off_v)
        off = off_v[...]

        def shift_body(j, carry):
            sl = pl.ds(j * _LANES, _LANES)
            idx_v[sl] = idx_v[sl] + off
            return carry

        lax.fori_loop(0, n_per_w // _LANES, shift_body, 0)

        copies = []
        for c in range(n_chunks):
            sl = pl.ds(c * _GATHER_CHUNK, _GATHER_CHUNK)
            copies.append(
                pltpu.async_copy(table_hbm.at[idx_v.at[sl]], rows_v.at[sl], sem)
            )
        for cp in copies:
            cp.wait()
        pltpu.sync_copy(rows_v, out_hbm.at[pl.ds(base, n_per_w)])

    return k(flat_ids, offsets16, table)


def kernel(input_ids, table):
    b, s, h = input_ids.shape
    d = table.shape[1]
    n = b * s * h
    flat_ids = input_ids.reshape(n)
    offsets16 = jnp.asarray(np.tile(_OFFSETS, _LANES // len(_OFFSETS)))
    out = _mhe_lookup(flat_ids, offsets16, table, n=n, d=d)
    return out.reshape(b, s, h, d)

# --- scband reference (transcript-rebuilt; emitter-appended) ---
"""Pipeline reference for scband-multi-head-embedding-63067299774778 (READ-ONLY COPY).

The authoritative reference and input builder live on the scoring server;
editing this copy changes nothing except your own understanding.
"""

import jax, jax.numpy as jnp
import numpy as np

VOCAB_SIZES = [100003, 100019, 100043, 100049, 100057, 100069, 100103, 100109]
OFFSETS = np.cumsum([0] + VOCAB_SIZES[:-1]).astype(np.int64)
TOTAL_VOCAB = int(sum(VOCAB_SIZES))
HEAD_DIM = 32
B, S, H = 4, 2048, 8


def setup_inputs(seed: int = 0) -> dict:
    key = jax.random.key(seed)
    k1, k2 = jax.random.split(key)
    # Hashed per-head indices; fill_max = min(VOCAB_SIZES) keeps every head in range.
    input_ids = jax.random.randint(k1, (B, S, H), 0, min(VOCAB_SIZES), dtype=jnp.int32)
    # Flattened embedding table covering all heads: [sum(vocab_sizes), head_dim]
    table = jax.random.normal(k2, (TOTAL_VOCAB, HEAD_DIM), dtype=jnp.float32) * 0.02
    return {"input_ids": input_ids, "table": table}


def reference(input_ids, table):
    # MultiHeadEmbedding.__call__: shift each head's indices into its slice of
    # the flattened table, then gather embeddings.
    offsets = jnp.asarray(OFFSETS, dtype=input_ids.dtype)  # [H]
    shifted_ids = input_ids + offsets  # [B, S, H]
    embeddings = jnp.take(table, shifted_ids, axis=0)  # [B, S, H, D_head]
    return embeddings

if __name__ == "__main__":
    import jax
    _d = setup_inputs()
    print(jax.jit(kernel)(*tuple(_d.values())))

</pallas_src>

<mosaic_0001>
#map = affine_map<(d0, d1) -> (0)>
#map1 = affine_map<(d0, d1) -> (0, 0)>
module attributes {stable_mosaic.version = 14 : i64} {
  func.func @k(%arg0: i32, %arg1: i32, %arg2: memref<65536xi32, #tpu.memory_space<hbm>>, %arg3: memref<16xi32, #tpu.memory_space<hbm>>, %arg4: memref<800452x32xf32, #tpu.memory_space<hbm>>, %arg5: memref<65536x32xf32, #tpu.memory_space<hbm>>, %arg6: memref<2048xi32, #tpu.memory_space<vmem>>, %arg7: memref<16xi32, #tpu.memory_space<vmem>>, %arg8: memref<2048x32xf32, #tpu.memory_space<vmem>>, %arg9: memref<!tpu.dma_semaphore, #tpu.memory_space<semaphore_mem>>) attributes {dimension_semantics = [#tpu.dimension_semantics<core_parallel>, #tpu.dimension_semantics<subcore_parallel>], iteration_bounds = array<i64: 2, 16>, scalar_prefetch = 0 : i64, scratch_operands = 4 : i64, tpu.core_type = #tpu.core_type<sc_vector_subcore>, window_params = [{transform_indices = #map}, {transform_indices = #map}, {transform_indices = #map1}, {transform_indices = #map1}]} {
    %mul3A = arith.constant 2 : i32
    %mul3A_0 = arith.muli %arg1, %mul3A : i32
    %add3A = arith.addi %mul3A_0, %arg0 : i32
    %mul3A_1 = arith.constant 2048 : i32
    %mul3A_2 = arith.muli %add3A, %mul3A_1 : i32
    "tpu.region"() ({
      %run_scoped3A = tpu.sem_alloc : memref<!tpu.dma_semaphore, #tpu.memory_space<semaphore_mem>>
      %dma_start3A_264 = tpu.memref_slice %arg2[%mul3A_2] : memref<65536xi32, #tpu.memory_space<hbm>> -> memref<2048xi32, #tpu.memory_space<hbm>>
      %dma_start3A_265 = tpu.memref_slice %arg2[%mul3A_2] : memref<65536xi32, #tpu.memory_space<hbm>> -> memref<2048xi32, #tpu.memory_space<hbm>>
      tpu.enqueue_dma source(%dma_start3A_265 : memref<2048xi32, #tpu.memory_space<hbm>>) target(%arg6 : memref<2048xi32, #tpu.memory_space<vmem>>) target_semaphore(%run_scoped3A : memref<!tpu.dma_semaphore, #tpu.memory_space<semaphore_mem>>)
      %dma_wait3A_266 = tpu.memref_slice %arg2[%mul3A_2] : memref<65536xi32, #tpu.memory_space<hbm>> -> memref<2048xi32, #tpu.memory_space<hbm>>
      %dma_wait3A_267 = tpu.memref_slice %arg2[%mul3A_2] : memref<65536xi32, #tpu.memory_space<hbm>> -> memref<2048xi32, #tpu.memory_space<hbm>>
      tpu.wait_dma2 semaphore(%run_scoped3A : memref<!tpu.dma_semaphore, #tpu.memory_space<semaphore_mem>>) src(%dma_wait3A_267 : memref<2048xi32, #tpu.memory_space<hbm>>) dst(%arg6 : memref<2048xi32, #tpu.memory_space<vmem>>)
      tpu.yield
    }) : () -> ()
    "tpu.region"() ({
      %run_scoped3A = tpu.sem_alloc : memref<!tpu.dma_semaphore, #tpu.memory_space<semaphore_mem>>
      tpu.enqueue_dma source(%arg3 : memref<16xi32, #tpu.memory_space<hbm>>) target(%arg7 : memref<16xi32, #tpu.memory_space<vmem>>) target_semaphore(%run_scoped3A : memref<!tpu.dma_semaphore, #tpu.memory_space<semaphore_mem>>)
      tpu.wait_dma2 semaphore(%run_scoped3A : memref<!tpu.dma_semaphore, #tpu.memory_space<semaphore_mem>>) src(%arg3 : memref<16xi32, #tpu.memory_space<hbm>>) dst(%arg7 : memref<16xi32, #tpu.memory_space<vmem>>)
      tpu.yield
    }) : () -> ()
    %get3A = arith.constant 0 : index
    %get3A_3 = tpu.vector_load %arg7[%get3A] {strides = array<i32>} : memref<16xi32, #tpu.memory_space<vmem>>, vector<16xi32>,
    %get3A_4 = vector.shape_cast %get3A_3 : vector<16xi32> to vector<16xi32>
    %scan3A = arith.constant 0 : i32
    %scan3A_5 = arith.constant 0 : i32
    %scan3A_6 = arith.constant 128 : i32
    %scan3A_7 = arith.addi %scan3A_5, %scan3A_6 : i32
    %scan3A_8 = arith.constant 1 : i32
    scf.for %scan3A_264 = %scan3A_5 to %scan3A_7 step %scan3A_8  : i32 {
      %mul3A_265 = arith.constant 16 : i32
      %mul3A_266 = arith.muli %scan3A_264, %mul3A_265 : i32
      %get3A_267 = arith.index_cast %mul3A_266 : i32 to index
      %get3A_268 = tpu.vector_load %arg6[%get3A_267] {strides = array<i32>} : memref<2048xi32, #tpu.memory_space<vmem>>, vector<16xi32>,
      %get3A_269 = vector.shape_cast %get3A_268 : vector<16xi32> to vector<16xi32>
      %add3A_270 = arith.addi %get3A_269, %get3A_4 : vector<16xi32>
      %swap3A = arith.index_cast %mul3A_266 : i32 to index
      %swap3A_271 = tpu.vector_load %arg6[%swap3A] {strides = array<i32>} : memref<2048xi32, #tpu.memory_space<vmem>>, vector<16xi32>,
      %swap3A_272 = vector.shape_cast %swap3A_271 : vector<16xi32> to vector<16xi32>
      %swap3A_273 = vector.shape_cast %add3A_270 : vector<16xi32> to vector<16xi32>
      tpu.vector_store %arg6[%swap3A], %swap3A_273 {strides = array<i32>} : memref<2048xi32, #tpu.memory_space<vmem>>, vector<16xi32>,
    }
    %scan3A_9 = arith.constant 128 : i32
    %dma_start3A = arith.constant 0 : i32
    %dma_start3A_10 = arith.constant 0 : i32
    %dma_start3A_11 = tpu.memref_slice %arg8[%dma_start3A, %dma_start3A_10] : memref<2048x32xf32, #tpu.memory_space<vmem>> -> memref<128x32xf32, #tpu.memory_space<vmem>>
    %dma_start3A_12 = arith.constant 0 : i32
    %dma_start3A_13 = tpu.memref_slice %arg6[%dma_start3A_12] : memref<2048xi32, #tpu.memory_space<vmem>> -> memref<128xi32, #tpu.memory_space<vmem>>
    %dma_start3A_14 = arith.constant 0 : i32
    %dma_start3A_15 = arith.constant 0 : i32
    %dma_start3A_16 = tpu.memref_slice %arg4[%dma_start3A_14, %dma_start3A_15] : memref<800452x32xf32, #tpu.memory_space<hbm>> -> memref<800452x32xf32, #tpu.memory_space<hbm>>
    tpu.enqueue_indirect_dma source(%dma_start3A_16 : memref<800452x32xf32, #tpu.memory_space<hbm>>) target(%dma_start3A_11 : memref<128x32xf32, #tpu.memory_space<vmem>>) offsets(%dma_start3A_13 : memref<128xi32, #tpu.memory_space<vmem>>) semaphore(%arg9 : memref<!tpu.dma_semaphore, #tpu.memory_space<semaphore_mem>>)
    %dma_start3A_17 = arith.constant 128 : i32
    %dma_start3A_18 = arith.constant 0 : i32
    %dma_start3A_19 = tpu.memref_slice %arg8[%dma_start3A_17, %dma_start3A_18] : memref<2048x32xf32, #tpu.memory_space<vmem>> -> memref<128x32xf32, #tpu.memory_space<vmem>>
    %dma_start3A_20 = arith.constant 128 : i32
    %dma_start3A_21 = tpu.memref_slice %arg6[%dma_start3A_20] : memref<2048xi32, #tpu.memory_space<vmem>> -> memref<128xi32, #tpu.memory_space<vmem>>
    %dma_start3A_22 = arith.constant 0 : i32
    %dma_start3A_23 = arith.constant 0 : i32
    %dma_start3A_24 = tpu.memref_slice %arg4[%dma_start3A_22, %dma_start3A_23] : memref<800452x32xf32, #tpu.memory_space<hbm>> -> memref<800452x32xf32, #tpu.memory_space<hbm>>
    tpu.enqueue_indirect_dma source(%dma_start3A_24 : memref<800452x32xf32, #tpu.memory_space<hbm>>) target(%dma_start3A_19 : memref<128x32xf32, #tpu.memory_space<vmem>>) offsets(%dma_start3A_21 : memref<128xi32, #tpu.memory_space<vmem>>) semaphore(%arg9 : memref<!tpu.dma_semaphore, #tpu.memory_space<semaphore_mem>>)
    %dma_start3A_25 = arith.constant 256 : i32
    %dma_start3A_26 = arith.constant 0 : i32
    %dma_start3A_27 = tpu.memref_slice %arg8[%dma_start3A_25, %dma_start3A_26] : memref<2048x32xf32, #tpu.memory_space<vmem>> -> memref<128x32xf32, #tpu.memory_space<vmem>>
    %dma_start3A_28 = arith.constant 256 : i32
    %dma_start3A_29 = tpu.memref_slice %arg6[%dma_start3A_28] : memref<2048xi32, #tpu.memory_space<vmem>> -> memref<128xi32, #tpu.memory_space<vmem>>
    %dma_start3A_30 = arith.constant 0 : i32
    %dma_start3A_31 = arith.constant 0 : i32
    %dma_start3A_32 = tpu.memref_slice %arg4[%dma_start3A_30, %dma_start3A_31] : memref<800452x32xf32, #tpu.memory_space<hbm>> -> memref<800452x32xf32, #tpu.memory_space<hbm>>
    tpu.enqueue_indirect_dma source(%dma_start3A_32 : memref<800452x32xf32, #tpu.memory_space<hbm>>) target(%dma_start3A_27 : memref<128x32xf32, #tpu.memory_space<vmem>>) offsets(%dma_start3A_29 : memref<128xi32, #tpu.memory_space<vmem>>) semaphore(%arg9 : memref<!tpu.dma_semaphore, #tpu.memory_space<semaphore_mem>>)
    %dma_start3A_33 = arith.constant 384 : i32
    %dma_start3A_34 = arith.constant 0 : i32
    %dma_start3A_35 = tpu.memref_slice %arg8[%dma_start3A_33, %dma_start3A_34] : memref<2048x32xf32, #tpu.memory_space<vmem>> -> memref<128x32xf32, #tpu.memory_space<vmem>>
    %dma_start3A_36 = arith.constant 384 : i32
    %dma_start3A_37 = tpu.memref_slice %arg6[%dma_start3A_36] : memref<2048xi32, #tpu.memory_space<vmem>> -> memref<128xi32, #tpu.memory_space<vmem>>
    %dma_start3A_38 = arith.constant 0 : i32
    %dma_start3A_39 = arith.constant 0 : i32
    %dma_start3A_40 = tpu.memref_slice %arg4[%dma_start3A_38, %dma_start3A_39] : memref<800452x32xf32, #tpu.memory_space<hbm>> -> memref<800452x32xf32, #tpu.memory_space<hbm>>
    tpu.enqueue_indirect_dma source(%dma_start3A_40 : memref<800452x32xf32, #tpu.memory_space<hbm>>) target(%dma_start3A_35 : memref<128x32xf32, #tpu.memory_space<vmem>>) offsets(%dma_start3A_37 : memref<128xi32, #tpu.memory_space<vmem>>) semaphore(%arg9 : memref<!tpu.dma_semaphore, #tpu.memory_space<semaphore_mem>>)
    %dma_start3A_41 = arith.constant 512 : i32
    %dma_start3A_42 = arith.constant 0 : i32
    %dma_start3A_43 = tpu.memref_slice %arg8[%dma_start3A_41, %dma_start3A_42] : memref<2048x32xf32, #tpu.memory_space<vmem>> -> memref<128x32xf32, #tpu.memory_space<vmem>>
    %dma_start3A_44 = arith.constant 512 : i32
    %dma_start3A_45 = tpu.memref_slice %arg6[%dma_start3A_44] : memref<2048xi32, #tpu.memory_space<vmem>> -> memref<128xi32, #tpu.memory_space<vmem>>
    %dma_start3A_46 = arith.constant 0 : i32
    %dma_start3A_47 = arith.constant 0 : i32
    %dma_start3A_48 = tpu.memref_slice %arg4[%dma_start3A_46, %dma_start3A_47] : memref<800452x32xf32, #tpu.memory_space<hbm>> -> memref<800452x32xf32, #tpu.memory_space<hbm>>
    tpu.enqueue_indirect_dma source(%dma_start3A_48 : memref<800452x32xf32, #tpu.memory_space<hbm>>) target(%dma_start3A_43 : memref<128x32xf32, #tpu.memory_space<vmem>>) offsets(%dma_start3A_45 : memref<128xi32, #tpu.memory_space<vmem>>) semaphore(%arg9 : memref<!tpu.dma_semaphore, #tpu.memory_space<semaphore_mem>>)
    %dma_start3A_49 = arith.constant 640 : i32
    %dma_start3A_50 = arith.constant 0 : i32
    %dma_start3A_51 = tpu.memref_slice %arg8[%dma_start3A_49, %dma_start3A_50] : memref<2048x32xf32, #tpu.memory_space<vmem>> -> memref<128x32xf32, #tpu.memory_space<vmem>>
    %dma_start3A_52 = arith.constant 640 : i32
    %dma_start3A_53 = tpu.memref_slice %arg6[%dma_start3A_52] : memref<2048xi32, #tpu.memory_space<vmem>> -> memref<128xi32, #tpu.memory_space<vmem>>
    %dma_start3A_54 = arith.constant 0 : i32
    %dma_start3A_55 = arith.constant 0 : i32
    %dma_start3A_56 = tpu.memref_slice %arg4[%dma_start3A_54, %dma_start3A_55] : memref<800452x32xf32, #tpu.memory_space<hbm>> -> memref<800452x32xf32, #tpu.memory_space<hbm>>
    tpu.enqueue_indirect_dma source(%dma_start3A_56 : memref<800452x32xf32, #tpu.memory_space<hbm>>) target(%dma_start3A_51 : memref<128x32xf32, #tpu.memory_space<vmem>>) offsets(%dma_start3A_53 : memref<128xi32, #tpu.memory_space<vmem>>) semaphore(%arg9 : memref<!tpu.dma_semaphore, #tpu.memory_space<semaphore_mem>>)
    %dma_start3A_57 = arith.constant 768 : i32
    %dma_start3A_58 = arith.constant 0 : i32
    %dma_start3A_59 = tpu.memref_slice %arg8[%dma_start3A_57, %dma_start3A_58] : memref<2048x32xf32, #tpu.memory_space<vmem>> -> memref<128x32xf32, #tpu.memory_space<vmem>>
    %dma_start3A_60 = arith.constant 768 : i32
    %dma_start3A_61 = tpu.memref_slice %arg6[%dma_start3A_60] : memref<2048xi32, #tpu.memory_space<vmem>> -> memref<128xi32, #tpu.memory_space<vmem>>
    %dma_start3A_62 = arith.constant 0 : i32
    %dma_start3A_63 = arith.constant 0 : i32
    %dma_start3A_64 = tpu.memref_slice %arg4[%dma_start3A_62, %dma_start3A_63] : memref<800452x32xf32, #tpu.memory_space<hbm>> -> memref<800452x32xf32, #tpu.memory_space<hbm>>
    tpu.enqueue_indirect_dma source(%dma_start3A_64 : memref<800452x32xf32, #tpu.memory_space<hbm>>) target(%dma_start3A_59 : memref<128x32xf32, #tpu.memory_space<vmem>>) offsets(%dma_start3A_61 : memref<128xi32, #tpu.memory_space<vmem>>) semaphore(%arg9 : memref<!tpu.dma_semaphore, #tpu.memory_space<semaphore_mem>>)
    %dma_start3A_65 = arith.constant 896 : i32
    %dma_start3A_66 = arith.constant 0 : i32
    %dma_start3A_67 = tpu.memref_slice %arg8[%dma_start3A_65, %dma_start3A_66] : memref<2048x32xf32, #tpu.memory_space<vmem>> -> memref<128x32xf32, #tpu.memory_space<vmem>>
    %dma_start3A_68 = arith.constant 896 : i32
    %dma_start3A_69 = tpu.memref_slice %arg6[%dma_start3A_68] : memref<2048xi32, #tpu.memory_space<vmem>> -> memref<128xi32, #tpu.memory_space<vmem>>
    %dma_start3A_70 = arith.constant 0 : i32
    %dma_start3A_71 = arith.constant 0 : i32
    %dma_start3A_72 = tpu.memref_slice %arg4[%dma_start3A_70, %dma_start3A_71] : memref<800452x32xf32, #tpu.memory_space<hbm>> -> memref<800452x32xf32, #tpu.memory_space<hbm>>
    tpu.enqueue_indirect_dma source(%dma_start3A_72 : memref<800452x32xf32, #tpu.memory_space<hbm>>) target(%dma_start3A_67 : memref<128x32xf32, #tpu.memory_space<vmem>>) offsets(%dma_start3A_69 : memref<128xi32, #tpu.memory_space<vmem>>) semaphore(%arg9 : memref<!tpu.dma_semaphore, #tpu.memory_space<semaphore_mem>>)
    %dma_start3A_73 = arith.constant 1024 : i32
    %dma_start3A_74 = arith.constant 0 : i32
    %dma_start3A_75 = tpu.memref_slice %arg8[%dma_start3A_73, %dma_start3A_74] : memref<2048x32xf32, #tpu.memory_space<vmem>> -> memref<128x32xf32, #tpu.memory_space<vmem>>
    %dma_start3A_76 = arith.constant 1024 : i32
    %dma_start3A_77 = tpu.memref_slice %arg6[%dma_start3A_76] : memref<2048xi32, #tpu.memory_space<vmem>> -> memref<128xi32, #tpu.memory_space<vmem>>
    %dma_start3A_78 = arith.constant 0 : i32
    %dma_start3A_79 = arith.constant 0 : i32
    %dma_start3A_80 = tpu.memref_slice %arg4[%dma_start3A_78, %dma_start3A_79] : memref<800452x32xf32, #tpu.memory_space<hbm>> -> memref<800452x32xf32, #tpu.memory_space<hbm>>
    tpu.enqueue_indirect_dma source(%dma_start3A_80 : memref<800452x32xf32, #tpu.memory_space<hbm>>) target(%dma_start3A_75 : memref<128x32xf32, #tpu.memory_space<vmem>>) offsets(%dma_start3A_77 : memref<128xi32, #tpu.memory_space<vmem>>) semaphore(%arg9 : memref<!tpu.dma_semaphore, #tpu.memory_space<semaphore_mem>>)
    %dma_start3A_81 = arith.constant 1152 : i32
    %dma_start3A_82 = arith.constant 0 : i32
    %dma_start3A_83 = tpu.memref_slice %arg8[%dma_start3A_81, %dma_start3A_82] : memref<2048x32xf32, #tpu.memory_space<vmem>> -> memref<128x32xf32, #tpu.memory_space<vmem>>
    %dma_start3A_84 = arith.constant 1152 : i32
    %dma_start3A_85 = tpu.memref_slice %arg6[%dma_start3A_84] : memref<2048xi32, #tpu.memory_space<vmem>> -> memref<128xi32, #tpu.memory_space<vmem>>
    %dma_start3A_86 = arith.constant 0 : i32
    %dma_start3A_87 = arith.constant 0 : i32
    %dma_start3A_88 = tpu.memref_slice %arg4[%dma_start3A_86, %dma_start3A_87] : memref<800452x32xf32, #tpu.memory_space<hbm>> -> memref<800452x32xf32, #tpu.memory_space<hbm>>
    tpu.enqueue_indirect_dma source(%dma_start3A_88 : memref<800452x32xf32, #tpu.memory_space<hbm>>) target(%dma_start3A_83 : memref<128x32xf32, #tpu.memory_space<vmem>>) offsets(%dma_start3A_85 : memref<128xi32, #tpu.memory_space<vmem>>) semaphore(%arg9 : memref<!tpu.dma_semaphore, #tpu.memory_space<semaphore_mem>>)
    %dma_start3A_89 = arith.constant 1280 : i32
    %dma_start3A_90 = arith.constant 0 : i32
    %dma_start3A_91 = tpu.memref_slice %arg8[%dma_start3A_89, %dma_start3A_90] : memref<2048x32xf32, #tpu.memory_space<vmem>> -> memref<128x32xf32, #tpu.memory_space<vmem>>
    %dma_start3A_92 = arith.constant 1280 : i32
    %dma_start3A_93 = tpu.memref_slice %arg6[%dma_start3A_92] : memref<2048xi32, #tpu.memory_space<vmem>> -> memref<128xi32, #tpu.memory_space<vmem>>
    %dma_start3A_94 = arith.constant 0 : i32
    %dma_start3A_95 = arith.constant 0 : i32
    %dma_start3A_96 = tpu.memref_slice %arg4[%dma_start3A_94, %dma_start3A_95] : memref<800452x32xf32, #tpu.memory_space<hbm>> -> memref<800452x32xf32, #tpu.memory_space<hbm>>
    tpu.enqueue_indirect_dma source(%dma_start3A_96 : memref<800452x32xf32, #tpu.memory_space<hbm>>) target(%dma_start3A_91 : memref<128x32xf32, #tpu.memory_space<vmem>>) offsets(%dma_start3A_93 : memref<128xi32, #tpu.memory_space<vmem>>) semaphore(%arg9 : memref<!tpu.dma_semaphore, #tpu.memory_space<semaphore_mem>>)
    %dma_start3A_97 = arith.constant 1408 : i32
    %dma_start3A_98 = arith.constant 0 : i32
    %dma_start3A_99 = tpu.memref_slice %arg8[%dma_start3A_97, %dma_start3A_98] : memref<2048x32xf32, #tpu.memory_space<vmem>> -> memref<128x32xf32, #tpu.memory_space<vmem>>
    %dma_start3A_100 = arith.constant 1408 : i32
    %dma_start3A_101 = tpu.memref_slice %arg6[%dma_start3A_100] : memref<2048xi32, #tpu.memory_space<vmem>> -> memref<128xi32, #tpu.memory_space<vmem>>
    %dma_start3A_102 = arith.constant 0 : i32
    %dma_start3A_103 = arith.constant 0 : i32
    %dma_start3A_104 = tpu.memref_slice %arg4[%dma_start3A_102, %dma_start3A_103] : memref<800452x32xf32, #tpu.memory_space<hbm>> -> memref<800452x32xf32, #tpu.memory_space<hbm>>
    tpu.enqueue_indirect_dma source(%dma_start3A_104 : memref<800452x32xf32, #tpu.memory_space<hbm>>) target(%dma_start3A_99 : memref<128x32xf32, #tpu.memory_space<vmem>>) offsets(%dma_start3A_101 : memref<128xi32, #tpu.memory_space<vmem>>) semaphore(%arg9 : memref<!tpu.dma_semaphore, #tpu.memory_space<semaphore_mem>>)
    %dma_start3A_105 = arith.constant 1536 : i32
    %dma_start3A_106 = arith.constant 0 : i32
    %dma_start3A_107 = tpu.memref_slice %arg8[%dma_start3A_105, %dma_start3A_106] : memref<2048x32xf32, #tpu.memory_space<vmem>> -> memref<128x32xf32, #tpu.memory_space<vmem>>
    %dma_start3A_108 = arith.constant 1536 : i32
    %dma_start3A_109 = tpu.memref_slice %arg6[%dma_start3A_108] : memref<2048xi32, #tpu.memory_space<vmem>> -> memref<128xi32, #tpu.memory_space<vmem>>
    %dma_start3A_110 = arith.constant 0 : i32
    %dma_start3A_111 = arith.constant 0 : i32
    %dma_start3A_112 = tpu.memref_slice %arg4[%dma_start3A_110, %dma_start3A_111] : memref<800452x32xf32, #tpu.memory_space<hbm>> -> memref<800452x32xf32, #tpu.memory_space<hbm>>
    tpu.enqueue_indirect_dma source(%dma_start3A_112 : memref<800452x32xf32, #tpu.memory_space<hbm>>) target(%dma_start3A_107 : memref<128x32xf32, #tpu.memory_space<vmem>>) offsets(%dma_start3A_109 : memref<128xi32, #tpu.memory_space<vmem>>) semaphore(%arg9 : memref<!tpu.dma_semaphore, #tpu.memory_space<semaphore_mem>>)
    %dma_start3A_113 = arith.constant 1664 : i32
    %dma_start3A_114 = arith.constant 0 : i32
    %dma_start3A_115 = tpu.memref_slice %arg8[%dma_start3A_113, %dma_start3A_114] : memref<2048x32xf32, #tpu.memory_space<vmem>> -> memref<128x32xf32, #tpu.memory_space<vmem>>
    %dma_start3A_116 = arith.constant 1664 : i32
    %dma_start3A_117 = tpu.memref_slice %arg6[%dma_start3A_116] : memref<2048xi32, #tpu.memory_space<vmem>> -> memref<128xi32, #tpu.memory_space<vmem>>
    %dma_start3A_118 = arith.constant 0 : i32
    %dma_start3A_119 = arith.constant 0 : i32
    %dma_start3A_120 = tpu.memref_slice %arg4[%dma_start3A_118, %dma_start3A_119] : memref<800452x32xf32, #tpu.memory_space<hbm>> -> memref<800452x32xf32, #tpu.memory_space<hbm>>
    tpu.enqueue_indirect_dma source(%dma_start3A_120 : memref<800452x32xf32, #tpu.memory_space<hbm>>) target(%dma_start3A_115 : memref<128x32xf32, #tpu.memory_space<vmem>>) offsets(%dma_start3A_117 : memref<128xi32, #tpu.memory_space<vmem>>) semaphore(%arg9 : memref<!tpu.dma_semaphore, #tpu.memory_space<semaphore_mem>>)
    %dma_start3A_121 = arith.constant 1792 : i32
    %dma_start3A_122 = arith.constant 0 : i32
    %dma_start3A_123 = tpu.memref_slice %arg8[%dma_start3A_121, %dma_start3A_122] : memref<2048x32xf32, #tpu.memory_space<vmem>> -> memref<128x32xf32, #tpu.memory_space<vmem>>
    %dma_start3A_124 = arith.constant 1792 : i32
    %dma_start3A_125 = tpu.memref_slice %arg6[%dma_start3A_124] : memref<2048xi32, #tpu.memory_space<vmem>> -> memref<128xi32, #tpu.memory_space<vmem>>
    %dma_start3A_126 = arith.constant 0 : i32
    %dma_start3A_127 = arith.constant 0 : i32
    %dma_start3A_128 = tpu.memref_slice %arg4[%dma_start3A_126, %dma_start3A_127] : memref<800452x32xf32, #tpu.memory_space<hbm>> -> memref<800452x32xf32, #tpu.memory_space<hbm>>
    tpu.enqueue_indirect_dma source(%dma_start3A_128 : memref<800452x32xf32, #tpu.memory_space<hbm>>) target(%dma_start3A_123 : memref<128x32xf32, #tpu.memory_space<vmem>>) offsets(%dma_start3A_125 : memref<128xi32, #tpu.memory_space<vmem>>) semaphore(%arg9 : memref<!tpu.dma_semaphore, #tpu.memory_space<semaphore_mem>>)
    %dma_start3A_129 = arith.constant 1920 : i32
    %dma_start3A_130 = arith.constant 0 : i32
    %dma_start3A_131 = tpu.memref_slice %arg8[%dma_start3A_129, %dma_start3A_130] : memref<2048x32xf32, #tpu.memory_space<vmem>> -> memref<128x32xf32, #tpu.memory_space<vmem>>
    %dma_start3A_132 = arith.constant 1920 : i32
    %dma_start3A_133 = tpu.memref_slice %arg6[%dma_start3A_132] : memref<2048xi32, #tpu.memory_space<vmem>> -> memref<128xi32, #tpu.memory_space<vmem>>
    %dma_start3A_134 = arith.constant 0 : i32
    %dma_start3A_135 = arith.constant 0 : i32
    %dma_start3A_136 = tpu.memref_slice %arg4[%dma_start3A_134, %dma_start3A_135] : memref<800452x32xf32, #tpu.memory_space<hbm>> -> memref<800452x32xf32, #tpu.memory_space<hbm>>
    tpu.enqueue_indirect_dma source(%dma_start3A_136 : memref<800452x32xf32, #tpu.memory_space<hbm>>) target(%dma_start3A_131 : memref<128x32xf32, #tpu.memory_space<vmem>>) offsets(%dma_start3A_133 : memref<128xi32, #tpu.memory_space<vmem>>) semaphore(%arg9 : memref<!tpu.dma_semaphore, #tpu.memory_space<semaphore_mem>>)
    %dma_wait3A = arith.constant 0 : i32
    %dma_wait3A_137 = arith.constant 0 : i32
    %dma_wait3A_138 = tpu.memref_slice %arg8[%dma_wait3A, %dma_wait3A_137] : memref<2048x32xf32, #tpu.memory_space<vmem>> -> memref<128x32xf32, #tpu.memory_space<vmem>>
    %dma_wait3A_139 = arith.constant 0 : i32
    %dma_wait3A_140 = tpu.memref_slice %arg6[%dma_wait3A_139] : memref<2048xi32, #tpu.memory_space<vmem>> -> memref<128xi32, #tpu.memory_space<vmem>>
    %dma_wait3A_141 = arith.constant 0 : i32
    %dma_wait3A_142 = arith.constant 0 : i32
    %dma_wait3A_143 = tpu.memref_slice %arg4[%dma_wait3A_141, %dma_wait3A_142] : memref<800452x32xf32, #tpu.memory_space<hbm>> -> memref<800452x32xf32, #tpu.memory_space<hbm>>
    tpu.wait_indirect_dma semaphore(%arg9 : memref<!tpu.dma_semaphore, #tpu.memory_space<semaphore_mem>>) src(%dma_wait3A_143 : memref<800452x32xf32, #tpu.memory_space<hbm>>) dst(%dma_wait3A_138 : memref<128x32xf32, #tpu.memory_space<vmem>>)
    %dma_wait3A_144 = arith.constant 128 : i32
    %dma_wait3A_145 = arith.constant 0 : i32
    %dma_wait3A_146 = tpu.memref_slice %arg8[%dma_wait3A_144, %dma_wait3A_145] : memref<2048x32xf32, #tpu.memory_space<vmem>> -> memref<128x32xf32, #tpu.memory_space<vmem>>
    %dma_wait3A_147 = arith.constant 128 : i32
    %dma_wait3A_148 = tpu.memref_slice %arg6[%dma_wait3A_147] : memref<2048xi32, #tpu.memory_space<vmem>> -> memref<128xi32, #tpu.memory_space<vmem>>
    %dma_wait3A_149 = arith.constant 0 : i32
    %dma_wait3A_150 = arith.constant 0 : i32
    %dma_wait3A_151 = tpu.memref_slice %arg4[%dma_wait3A_149, %dma_wait3A_150] : memref<800452x32xf32, #tpu.memory_space<hbm>> -> memref<800452x32xf32, #tpu.memory_space<hbm>>
    tpu.wait_indirect_dma semaphore(%arg9 : memref<!tpu.dma_semaphore, #tpu.memory_space<semaphore_mem>>) src(%dma_wait3A_151 : memref<800452x32xf32, #tpu.memory_space<hbm>>) dst(%dma_wait3A_146 : memref<128x32xf32, #tpu.memory_space<vmem>>)
    %dma_wait3A_152 = arith.constant 256 : i32
    %dma_wait3A_153 = arith.constant 0 : i32
    %dma_wait3A_154 = tpu.memref_slice %arg8[%dma_wait3A_152, %dma_wait3A_153] : memref<2048x32xf32, #tpu.memory_space<vmem>> -> memref<128x32xf32, #tpu.memory_space<vmem>>
    %dma_wait3A_155 = arith.constant 256 : i32
    %dma_wait3A_156 = tpu.memref_slice %arg6[%dma_wait3A_155] : memref<2048xi32, #tpu.memory_space<vmem>> -> memref<128xi32, #tpu.memory_space<vmem>>
    %dma_wait3A_157 = arith.constant 0 : i32
    %dma_wait3A_158 = arith.constant 0 : i32
    %dma_wait3A_159 = tpu.memref_slice %arg4[%dma_wait3A_157, %dma_wait3A_158] : memref<800452x32xf32, #tpu.memory_space<hbm>> -> memref<800452x32xf32, #tpu.memory_space<hbm>>
    tpu.wait_indirect_dma semaphore(%arg9 : memref<!tpu.dma_semaphore, #tpu.memory_space<semaphore_mem>>) src(%dma_wait3A_159 : memref<800452x32xf32, #tpu.memory_space<hbm>>) dst(%dma_wait3A_154 : memref<128x32xf32, #tpu.memory_space<vmem>>)
    %dma_wait3A_160 = arith.constant 384 : i32
    %dma_wait3A_161 = arith.constant 0 : i32
    %dma_wait3A_162 = tpu.memref_slice %arg8[%dma_wait3A_160, %dma_wait3A_161] : memref<2048x32xf32, #tpu.memory_space<vmem>> -> memref<128x32xf32, #tpu.memory_space<vmem>>
    %dma_wait3A_163 = arith.constant 384 : i32
    %dma_wait3A_164 = tpu.memref_slice %arg6[%dma_wait3A_163] : memref<2048xi32, #tpu.memory_space<vmem>> -> memref<128xi32, #tpu.memory_space<vmem>>
    %dma_wait3A_165 = arith.constant 0 : i32
    %dma_wait3A_166 = arith.constant 0 : i32
    %dma_wait3A_167 = tpu.memref_slice %arg4[%dma_wait3A_165, %dma_wait3A_166] : memref<800452x32xf32, #tpu.memory_space<hbm>> -> memref<800452x32xf32, #tpu.memory_space<hbm>>
    tpu.wait_indirect_dma semaphore(%arg9 : memref<!tpu.dma_semaphore, #tpu.memory_space<semaphore_mem>>) src(%dma_wait3A_167 : memref<800452x32xf32, #tpu.memory_space<hbm>>) dst(%dma_wait3A_162 : memref<128x32xf32, #tpu.memory_space<vmem>>)
    %dma_wait3A_168 = arith.constant 512 : i32
    %dma_wait3A_169 = arith.constant 0 : i32
    %dma_wait3A_170 = tpu.memref_slice %arg8[%dma_wait3A_168, %dma_wait3A_169] : memref<2048x32xf32, #tpu.memory_space<vmem>> -> memref<128x32xf32, #tpu.memory_space<vmem>>
    %dma_wait3A_171 = arith.constant 512 : i32
    %dma_wait3A_172 = tpu.memref_slice %arg6[%dma_wait3A_171] : memref<2048xi32, #tpu.memory_space<vmem>> -> memref<128xi32, #tpu.memory_space<vmem>>
    %dma_wait3A_173 = arith.constant 0 : i32
    %dma_wait3A_174 = arith.constant 0 : i32
    %dma_wait3A_175 = tpu.memref_slice %arg4[%dma_wait3A_173, %dma_wait3A_174] : memref<800452x32xf32, #tpu.memory_space<hbm>> -> memref<800452x32xf32, #tpu.memory_space<hbm>>
    tpu.wait_indirect_dma semaphore(%arg9 : memref<!tpu.dma_semaphore, #tpu.memory_space<semaphore_mem>>) src(%dma_wait3A_175 : memref<800452x32xf32, #tpu.memory_space<hbm>>) dst(%dma_wait3A_170 : memref<128x32xf32, #tpu.memory_space<vmem>>)
    %dma_wait3A_176 = arith.constant 640 : i32
    %dma_wait3A_177 = arith.constant 0 : i32
    %dma_wait3A_178 = tpu.memref_slice %arg8[%dma_wait3A_176, %dma_wait3A_177] : memref<2048x32xf32, #tpu.memory_space<vmem>> -> memref<128x32xf32, #tpu.memory_space<vmem>>
    %dma_wait3A_179 = arith.constant 640 : i32
    %dma_wait3A_180 = tpu.memref_slice %arg6[%dma_wait3A_179] : memref<2048xi32, #tpu.memory_space<vmem>> -> memref<128xi32, #tpu.memory_space<vmem>>
    %dma_wait3A_181 = arith.constant 0 : i32
    %dma_wait3A_182 = arith.constant 0 : i32
    %dma_wait3A_183 = tpu.memref_slice %arg4[%dma_wait3A_181, %dma_wait3A_182] : memref<800452x32xf32, #tpu.memory_space<hbm>> -> memref<800452x32xf32, #tpu.memory_space<hbm>>
    tpu.wait_indirect_dma semaphore(%arg9 : memref<!tpu.dma_semaphore, #tpu.memory_space<semaphore_mem>>) src(%dma_wait3A_183 : memref<800452x32xf32, #tpu.memory_space<hbm>>) dst(%dma_wait3A_178 : memref<128x32xf32, #tpu.memory_space<vmem>>)
    %dma_wait3A_184 = arith.constant 768 : i32
    %dma_wait3A_185 = arith.constant 0 : i32
    %dma_wait3A_186 = tpu.memref_slice %arg8[%dma_wait3A_184, %dma_wait3A_185] : memref<2048x32xf32, #tpu.memory_space<vmem>> -> memref<128x32xf32, #tpu.memory_space<vmem>>
    %dma_wait3A_187 = arith.constant 768 : i32
    %dma_wait3A_188 = tpu.memref_slice %arg6[%dma_wait3A_187] : memref<2048xi32, #tpu.memory_space<vmem>> -> memref<128xi32, #tpu.memory_space<vmem>>
    %dma_wait3A_189 = arith.constant 0 : i32
    %dma_wait3A_190 = arith.constant 0 : i32
    %dma_wait3A_191 = tpu.memref_slice %arg4[%dma_wait3A_189, %dma_wait3A_190] : memref<800452x32xf32, #tpu.memory_space<hbm>> -> memref<800452x32xf32, #tpu.memory_space<hbm>>
    tpu.wait_indirect_dma semaphore(%arg9 : memref<!tpu.dma_semaphore, #tpu.memory_space<semaphore_mem>>) src(%dma_wait3A_191 : memref<800452x32xf32, #tpu.memory_space<hbm>>) dst(%dma_wait3A_186 : memref<128x32xf32, #tpu.memory_space<vmem>>)
    %dma_wait3A_192 = arith.constant 896 : i32
    %dma_wait3A_193 = arith.constant 0 : i32
    %dma_wait3A_194 = tpu.memref_slice %arg8[%dma_wait3A_192, %dma_wait3A_193] : memref<2048x32xf32, #tpu.memory_space<vmem>> -> memref<128x32xf32, #tpu.memory_space<vmem>>
    %dma_wait3A_195 = arith.constant 896 : i32
    %dma_wait3A_196 = tpu.memref_slice %arg6[%dma_wait3A_195] : memref<2048xi32, #tpu.memory_space<vmem>> -> memref<128xi32, #tpu.memory_space<vmem>>
    %dma_wait3A_197 = arith.constant 0 : i32
    %dma_wait3A_198 = arith.constant 0 : i32
    %dma_wait3A_199 = tpu.memref_slice %arg4[%dma_wait3A_197, %dma_wait3A_198] : memref<800452x32xf32, #tpu.memory_space<hbm>> -> memref<800452x32xf32, #tpu.memory_space<hbm>>
    tpu.wait_indirect_dma semaphore(%arg9 : memref<!tpu.dma_semaphore, #tpu.memory_space<semaphore_mem>>) src(%dma_wait3A_199 : memref<800452x32xf32, #tpu.memory_space<hbm>>) dst(%dma_wait3A_194 : memref<128x32xf32, #tpu.memory_space<vmem>>)
    %dma_wait3A_200 = arith.constant 1024 : i32
    %dma_wait3A_201 = arith.constant 0 : i32
    %dma_wait3A_202 = tpu.memref_slice %arg8[%dma_wait3A_200, %dma_wait3A_201] : memref<2048x32xf32, #tpu.memory_space<vmem>> -> memref<128x32xf32, #tpu.memory_space<vmem>>
    %dma_wait3A_203 = arith.constant 1024 : i32
    %dma_wait3A_204 = tpu.memref_slice %arg6[%dma_wait3A_203] : memref<2048xi32, #tpu.memory_space<vmem>> -> memref<128xi32, #tpu.memory_space<vmem>>
    %dma_wait3A_205 = arith.constant 0 : i32
    %dma_wait3A_206 = arith.constant 0 : i32
    %dma_wait3A_207 = tpu.memref_slice %arg4[%dma_wait3A_205, %dma_wait3A_206] : memref<800452x32xf32, #tpu.memory_space<hbm>> -> memref<800452x32xf32, #tpu.memory_space<hbm>>
    tpu.wait_indirect_dma semaphore(%arg9 : memref<!tpu.dma_semaphore, #tpu.memory_space<semaphore_mem>>) src(%dma_wait3A_207 : memref<800452x32xf32, #tpu.memory_space<hbm>>) dst(%dma_wait3A_202 : memref<128x32xf32, #tpu.memory_space<vmem>>)
    %dma_wait3A_208 = arith.constant 1152 : i32
    %dma_wait3A_209 = arith.constant 0 : i32
    %dma_wait3A_210 = tpu.memref_slice %arg8[%dma_wait3A_208, %dma_wait3A_209] : memref<2048x32xf32, #tpu.memory_space<vmem>> -> memref<128x32xf32, #tpu.memory_space<vmem>>
    %dma_wait3A_211 = arith.constant 1152 : i32
    %dma_wait3A_212 = tpu.memref_slice %arg6[%dma_wait3A_211] : memref<2048xi32, #tpu.memory_space<vmem>> -> memref<128xi32, #tpu.memory_space<vmem>>
    %dma_wait3A_213 = arith.constant 0 : i32
    %dma_wait3A_214 = arith.constant 0 : i32
    %dma_wait3A_215 = tpu.memref_slice %arg4[%dma_wait3A_213, %dma_wait3A_214] : memref<800452x32xf32, #tpu.memory_space<hbm>> -> memref<800452x32xf32, #tpu.memory_space<hbm>>
    tpu.wait_indirect_dma semaphore(%arg9 : memref<!tpu.dma_semaphore, #tpu.memory_space<semaphore_mem>>) src(%dma_wait3A_215 : memref<800452x32xf32, #tpu.memory_space<hbm>>) dst(%dma_wait3A_210 : memref<128x32xf32, #tpu.memory_space<vmem>>)
    %dma_wait3A_216 = arith.constant 1280 : i32
    %dma_wait3A_217 = arith.constant 0 : i32
    %dma_wait3A_218 = tpu.memref_slice %arg8[%dma_wait3A_216, %dma_wait3A_217] : memref<2048x32xf32, #tpu.memory_space<vmem>> -> memref<128x32xf32, #tpu.memory_space<vmem>>
    %dma_wait3A_219 = arith.constant 1280 : i32
    %dma_wait3A_220 = tpu.memref_slice %arg6[%dma_wait3A_219] : memref<2048xi32, #tpu.memory_space<vmem>> -> memref<128xi32, #tpu.memory_space<vmem>>
    %dma_wait3A_221 = arith.constant 0 : i32
    %dma_wait3A_222 = arith.constant 0 : i32
    %dma_wait3A_223 = tpu.memref_slice %arg4[%dma_wait3A_221, %dma_wait3A_222] : memref<800452x32xf32, #tpu.memory_space<hbm>> -> memref<800452x32xf32, #tpu.memory_space<hbm>>
    tpu.wait_indirect_dma semaphore(%arg9 : memref<!tpu.dma_semaphore, #tpu.memory_space<semaphore_mem>>) src(%dma_wait3A_223 : memref<800452x32xf32, #tpu.memory_space<hbm>>) dst(%dma_wait3A_218 : memref<128x32xf32, #tpu.memory_space<vmem>>)
    %dma_wait3A_224 = arith.constant 1408 : i32
    %dma_wait3A_225 = arith.constant 0 : i32
    %dma_wait3A_226 = tpu.memref_slice %arg8[%dma_wait3A_224, %dma_wait3A_225] : memref<2048x32xf32, #tpu.memory_space<vmem>> -> memref<128x32xf32, #tpu.memory_space<vmem>>
    %dma_wait3A_227 = arith.constant 1408 : i32
    %dma_wait3A_228 = tpu.memref_slice %arg6[%dma_wait3A_227] : memref<2048xi32, #tpu.memory_space<vmem>> -> memref<128xi32, #tpu.memory_space<vmem>>
    %dma_wait3A_229 = arith.constant 0 : i32
    %dma_wait3A_230 = arith.constant 0 : i32
    %dma_wait3A_231 = tpu.memref_slice %arg4[%dma_wait3A_229, %dma_wait3A_230] : memref<800452x32xf32, #tpu.memory_space<hbm>> -> memref<800452x32xf32, #tpu.memory_space<hbm>>
    tpu.wait_indirect_dma semaphore(%arg9 : memref<!tpu.dma_semaphore, #tpu.memory_space<semaphore_mem>>) src(%dma_wait3A_231 : memref<800452x32xf32, #tpu.memory_space<hbm>>) dst(%dma_wait3A_226 : memref<128x32xf32, #tpu.memory_space<vmem>>)
    %dma_wait3A_232 = arith.constant 1536 : i32
    %dma_wait3A_233 = arith.constant 0 : i32
    %dma_wait3A_234 = tpu.memref_slice %arg8[%dma_wait3A_232, %dma_wait3A_233] : memref<2048x32xf32, #tpu.memory_space<vmem>> -> memref<128x32xf32, #tpu.memory_space<vmem>>
    %dma_wait3A_235 = arith.constant 1536 : i32
    %dma_wait3A_236 = tpu.memref_slice %arg6[%dma_wait3A_235] : memref<2048xi32, #tpu.memory_space<vmem>> -> memref<128xi32, #tpu.memory_space<vmem>>
    %dma_wait3A_237 = arith.constant 0 : i32
    %dma_wait3A_238 = arith.constant 0 : i32
    %dma_wait3A_239 = tpu.memref_slice %arg4[%dma_wait3A_237, %dma_wait3A_238] : memref<800452x32xf32, #tpu.memory_space<hbm>> -> memref<800452x32xf32, #tpu.memory_space<hbm>>
    tpu.wait_indirect_dma semaphore(%arg9 : memref<!tpu.dma_semaphore, #tpu.memory_space<semaphore_mem>>) src(%dma_wait3A_239 : memref<800452x32xf32, #tpu.memory_space<hbm>>) dst(%dma_wait3A_234 : memref<128x32xf32, #tpu.memory_space<vmem>>)
    %dma_wait3A_240 = arith.constant 1664 : i32
    %dma_wait3A_241 = arith.constant 0 : i32
    %dma_wait3A_242 = tpu.memref_slice %arg8[%dma_wait3A_240, %dma_wait3A_241] : memref<2048x32xf32, #tpu.memory_space<vmem>> -> memref<128x32xf32, #tpu.memory_space<vmem>>
    %dma_wait3A_243 = arith.constant 1664 : i32
    %dma_wait3A_244 = tpu.memref_slice %arg6[%dma_wait3A_243] : memref<2048xi32, #tpu.memory_space<vmem>> -> memref<128xi32, #tpu.memory_space<vmem>>
    %dma_wait3A_245 = arith.constant 0 : i32
    %dma_wait3A_246 = arith.constant 0 : i32
    %dma_wait3A_247 = tpu.memref_slice %arg4[%dma_wait3A_245, %dma_wait3A_246] : memref<800452x32xf32, #tpu.memory_space<hbm>> -> memref<800452x32xf32, #tpu.memory_space<hbm>>
    tpu.wait_indirect_dma semaphore(%arg9 : memref<!tpu.dma_semaphore, #tpu.memory_space<semaphore_mem>>) src(%dma_wait3A_247 : memref<800452x32xf32, #tpu.memory_space<hbm>>) dst(%dma_wait3A_242 : memref<128x32xf32, #tpu.memory_space<vmem>>)
    %dma_wait3A_248 = arith.constant 1792 : i32
    %dma_wait3A_249 = arith.constant 0 : i32
    %dma_wait3A_250 = tpu.memref_slice %arg8[%dma_wait3A_248, %dma_wait3A_249] : memref<2048x32xf32, #tpu.memory_space<vmem>> -> memref<128x32xf32, #tpu.memory_space<vmem>>
    %dma_wait3A_251 = arith.constant 1792 : i32
    %dma_wait3A_252 = tpu.memref_slice %arg6[%dma_wait3A_251] : memref<2048xi32, #tpu.memory_space<vmem>> -> memref<128xi32, #tpu.memory_space<vmem>>
    %dma_wait3A_253 = arith.constant 0 : i32
    %dma_wait3A_254 = arith.constant 0 : i32
    %dma_wait3A_255 = tpu.memref_slice %arg4[%dma_wait3A_253, %dma_wait3A_254] : memref<800452x32xf32, #tpu.memory_space<hbm>> -> memref<800452x32xf32, #tpu.memory_space<hbm>>
    tpu.wait_indirect_dma semaphore(%arg9 : memref<!tpu.dma_semaphore, #tpu.memory_space<semaphore_mem>>) src(%dma_wait3A_255 : memref<800452x32xf32, #tpu.memory_space<hbm>>) dst(%dma_wait3A_250 : memref<128x32xf32, #tpu.memory_space<vmem>>)
    %dma_wait3A_256 = arith.constant 1920 : i32
    %dma_wait3A_257 = arith.constant 0 : i32
    %dma_wait3A_258 = tpu.memref_slice %arg8[%dma_wait3A_256, %dma_wait3A_257] : memref<2048x32xf32, #tpu.memory_space<vmem>> -> memref<128x32xf32, #tpu.memory_space<vmem>>
    %dma_wait3A_259 = arith.constant 1920 : i32
    %dma_wait3A_260 = tpu.memref_slice %arg6[%dma_wait3A_259] : memref<2048xi32, #tpu.memory_space<vmem>> -> memref<128xi32, #tpu.memory_space<vmem>>
    %dma_wait3A_261 = arith.constant 0 : i32
    %dma_wait3A_262 = arith.constant 0 : i32
    %dma_wait3A_263 = tpu.memref_slice %arg4[%dma_wait3A_261, %dma_wait3A_262] : memref<800452x32xf32, #tpu.memory_space<hbm>> -> memref<800452x32xf32, #tpu.memory_space<hbm>>
    tpu.wait_indirect_dma semaphore(%arg9 : memref<!tpu.dma_semaphore, #tpu.memory_space<semaphore_mem>>) src(%dma_wait3A_263 : memref<800452x32xf32, #tpu.memory_space<hbm>>) dst(%dma_wait3A_258 : memref<128x32xf32, #tpu.memory_space<vmem>>)
    "tpu.region"() ({
      %run_scoped3A = tpu.sem_alloc : memref<!tpu.dma_semaphore, #tpu.memory_space<semaphore_mem>>
      %dma_start3A_264 = arith.constant 0 : i32
      %dma_start3A_265 = tpu.memref_slice %arg5[%mul3A_2, %dma_start3A_264] : memref<65536x32xf32, #tpu.memory_space<hbm>> -> memref<2048x32xf32, #tpu.memory_space<hbm>>
      %dma_start3A_266 = arith.constant 0 : i32
      %dma_start3A_267 = tpu.memref_slice %arg5[%mul3A_2, %dma_start3A_266] : memref<65536x32xf32, #tpu.memory_space<hbm>> -> memref<2048x32xf32, #tpu.memory_space<hbm>>
      tpu.enqueue_dma source(%arg8 : memref<2048x32xf32, #tpu.memory_space<vmem>>) target(%dma_start3A_267 : memref<2048x32xf32, #tpu.memory_space<hbm>>) target_semaphore(%run_scoped3A : memref<!tpu.dma_semaphore, #tpu.memory_space<semaphore_mem>>)
      %dma_wait3A_268 = arith.constant 0 : i32
      %dma_wait3A_269 = tpu.memref_slice %arg5[%mul3A_2, %dma_wait3A_268] : memref<65536x32xf32, #tpu.memory_space<hbm>> -> memref<2048x32xf32, #tpu.memory_space<hbm>>
      %dma_wait3A_270 = arith.constant 0 : i32
      %dma_wait3A_271 = tpu.memref_slice %arg5[%mul3A_2, %dma_wait3A_270] : memref<65536x32xf32, #tpu.memory_space<hbm>> -> memref<2048x32xf32, #tpu.memory_space<hbm>>
      tpu.wait_dma2 semaphore(%run_scoped3A : memref<!tpu.dma_semaphore, #tpu.memory_space<semaphore_mem>>) src(%arg8 : memref<2048x32xf32, #tpu.memory_space<vmem>>) dst(%dma_wait3A_271 : memref<2048x32xf32, #tpu.memory_space<hbm>>)
      tpu.yield
    }) : () -> ()
    return
  }
}

</mosaic_0001>

<sc_bundles>
// kernel: _mhe_lookup.3.cloned.1.call-start
scs
__scs_entry_jumppad:
0x0: {  	(pc) =	sbr.rel $0x88, $3  }
0x1: {  	(tag) =	ssettag $0x0;
	lr =	simm.s32 $0x1  }
0x2: {  	[smem:$0x3F9E] =	sst lr;
	_ =	strace $0xD0000000  }
0x3: {  	_ = 	snop  }
0x4: {  	_ = 	snop  }
0x5: {  	_ = 	snop  }
0x6: {  	_ = 	snop  }
0x7: {  	_ = 	snop  }
__scs_overlays_trampoline_lowered:
0x8: {  	[smem:$0x3FAD] =	sst s0  }
0x9: {  	[smem:$0x3FAE] =	sst s1  }
0xa: {  	[smem:$0x3FAF] =	sst s2  }
0xb: {  	[smem:$0x3FB0] =	sst s3  }
0xc: {  	[smem:$0x3FB1] =	sst s4  }
0xd: {  	[smem:$0x3FB2] =	sst s5  }
0xe: {  	[smem:$0x3FB3] =	sst s6  }
0xf: {  	[smem:$0x3FB4] =	sst s7  }
0x10: {  	[smem:$0x3FB5] =	sst s8  }
0x11: {  	[smem:$0x3FB6] =	sst s9;
	s0 =	simm.s32 @!p0 $0x0  }
0x12: {  	s1 =	sld [smem:$0x3F9C];
	s0 =	simm.s32 @p0 $0x1  }
0x13: {  	[smem:$0x3FB7] =	sst s0;
	s0 =	simm.s32 @!p1 $0x0  }
0x14: {  	s2 =	sld [smem:$0x3F9B];
	s0 =	simm.s32 @p1 $0x1  }
0x15: {  	[smem:$0x3FB8] =	sst s0;
	s0 =	simm.s32 @!p2 $0x0  }
0x16: {  	s3 =	sld [smem:$0x3FDB];
	s0 =	simm.s32 @p2 $0x1  }
0x17: {  	s4 =	simm.s32 $0x1BF5;
	[smem:$0x3FBA] =	sst s0  }
0x18: {  	s0 =	sld [smem:$0x3F9D];
	_ =	swait.ge [sflag:s4], $0x0  }
0x19: {  	s7 =	sld [smem:$0x3F9E]  }
0x1a: {  	s8 =	sadd.s32 $0xFFFFE003, lr  }
0x1b: {  	s9 =	sadd.s32 $0xFFFFFEF7, lr;
	s5 =	simm.s32 $0xFFFFFFFF;
	p2 =	slt.u32 s8, $0xFFFFF086  }
0x1c: {  	p1 =	slt.u32 s9, $0xF7A;
	s5 =	simm.s32 @!p2 $0x0  }
0x1d: {  	s5 =	simm.s32 @p1 $0x1;
	p0 =	seq.s32 s7, s2  }
0x1e: {  	s7 =	smul.u32 @!p0 $0xF7A, s2;
	p2 =	seq.s32 @!p0 s5, $0x0  }
0x1f: {  	s9 =	smul.u32 $0xF7A, s1;
	s8 =	simm.s32 @!p0 $0x1BF5;
	p2 =	por !p2, p0  }
0x20: {  	[sflag:s8] =	ssyncset.s32 @!p0 $0xFFFFF086;
	s6 =	sadd.s32 @!p0 s3, s7;
	s7 =	simm.s32 @!p0 $0x108  }
0x21: {  	s3 =	sadd.s32 s3, s9;
	s6 =	sadd.s32 @!p0 $0x88, s6;
	s7 =	simm.s32 @p2 $0x1082  }
0x22: {  	[simem:s7], [sflag:s8] =	dma.local @!p0 [hbm:s6], $0xF7A  }
0x23: {  	s9 =	sor.u32 $0xD0000000, s2;
	s6 =	simm.s32 $0x108;
	_ =	swait.ge @!p0 [sflag:s8], $0x0  }
0x24: {  	s3 =	sadd.s32 $0x88, s3;
	s6 =	simm.s32 @!p1 $0x1082;
	[sflag:s4] =	ssyncset.s32 $0xFFFFF086  }
0x25: {  	[simem:s6], [sflag:s4] =	dma.local [hbm:s3], $0xF7A  }
0x26: {  	[smem:$0x3F9E] =	sst s1;
	(tag) =	ssettag s2;
	_ =	strace s9  }
0x27: {  	s1 =	sld [smem:$0x3FAE]  }
0x28: {  	s2 =	sld [smem:$0x3FAF]  }
0x29: {  	s4 =	sld [smem:$0x3FB1]  }
0x2a: {  	p0 =	seq.s32 s5, $0x0;
	s5 =	sld [smem:$0x3FB2]  }
0x2b: {  	s6 =	sld [smem:$0x3FB3]  }
0x2c: {  	s7 =	sld [smem:$0x3FB4]  }
0x2d: {  	s3 =	simm.s32 $0x108;
	s8 =	sld [smem:$0x3FB5]  }
0x2e: {  	s3 =	simm.s32 @!p0 $0x1082;
	s9 =	sld [smem:$0x3FB6]  }
0x2f: {  	lr =	sadd.s32 s0, s3;
	s0 =	sld [smem:$0x3FAD]  }
0x30: {  	s3 =	sld [smem:$0x3FB0]  }
0x31: {  	[smem:$0x3FB9] =	sst s10  }
0x32: {  	s10 =	sld [smem:$0x3FB7];
	_ =	sdelay $0x3  }
0x33: {  	p0 =	seq.s32 s10, $0x1;
	s10 =	sld [smem:$0x3FB9];
	_ =	sdelay $0x3  }
0x34: {  	[smem:$0x3FB9] =	sst s10  }
0x35: {  	s10 =	sld [smem:$0x3FB8];
	_ =	sdelay $0x3  }
0x36: {  	p1 =	seq.s32 s10, $0x1;
	s10 =	sld [smem:$0x3FB9];
	_ =	sdelay $0x3  }
0x37: {  	[smem:$0x3FB9] =	sst s10  }
0x38: {  	s10 =	sld [smem:$0x3FBA]  }
0x39: {  	_ = 	snop;
	(pc) =	sbr.ind lr, $3  }
0x3a: {  	_ = 	snop  }
0x3b: {  	_ = 	snop  }
0x3c: {  	p2 =	seq.s32 s10, $0x1;
	s10 =	sld [smem:$0x3FB9]  }
0x3d: {  	_ =	shalt  }
0x3e: {  	_ =	shalt  }
0x3f: {  	_ =	shalt  }
0x40: {  	_ =	shalt  }
0x41: {  	_ =	shalt  }
0x42: {  	_ =	shalt  }
0x43: {  	_ =	shalt  }
0x44: {  	_ =	shalt  }
0x45: {  	_ =	shalt  }
0x46: {  	_ =	shalt  }
0x47: {  	_ =	shalt  }
0x48: {  	_ =	shalt  }
0x49: {  	_ =	shalt  }
0x4a: {  	_ =	shalt  }
0x4b: {  	_ =	shalt  }
0x4c: {  	_ =	shalt  }
0x4d: {  	_ =	shalt  }
0x4e: {  	_ =	shalt  }
0x4f: {  	_ =	shalt  }
0x50: {  	_ =	shalt  }
0x51: {  	_ =	shalt  }
0x52: {  	_ =	shalt  }
0x53: {  	_ =	shalt  }
0x54: {  	_ =	shalt  }
0x55: {  	_ =	shalt  }
0x56: {  	_ =	shalt  }
0x57: {  	_ =	shalt  }
0x58: {  	_ =	shalt  }
0x59: {  	_ =	shalt  }
0x5a: {  	_ =	shalt  }
0x5b: {  	_ =	shalt  }
0x5c: {  	_ =	shalt  }
0x5d: {  	_ =	shalt  }
0x5e: {  	_ =	shalt  }
0x5f: {  	_ =	shalt  }
0x60: {  	_ =	shalt  }
0x61: {  	_ =	shalt  }
0x62: {  	_ =	shalt  }
0x63: {  	_ =	shalt  }
0x64: {  	_ =	shalt  }
0x65: {  	_ =	shalt  }
0x66: {  	_ =	shalt  }
0x67: {  	_ =	shalt  }
0x68: {  	_ =	shalt  }
0x69: {  	_ =	shalt  }
0x6a: {  	_ =	shalt  }
0x6b: {  	_ =	shalt  }
0x6c: {  	_ =	shalt  }
0x6d: {  	_ =	shalt  }
0x6e: {  	_ =	shalt  }
0x6f: {  	_ =	shalt  }
0x70: {  	_ =	shalt  }
0x71: {  	_ =	shalt  }
0x72: {  	_ =	shalt  }
0x73: {  	_ =	shalt  }
0x74: {  	_ =	shalt  }
0x75: {  	_ =	shalt  }
0x76: {  	_ =	shalt  }
0x77: {  	_ =	shalt  }
0x78: {  	_ =	shalt  }
0x79: {  	_ =	shalt  }
0x7a: {  	_ =	shalt  }
0x7b: {  	_ =	shalt  }
0x7c: {  	_ =	shalt  }
0x7d: {  	_ =	shalt  }
0x7e: {  	_ =	shalt  }
0x7f: {  	_ =	shalt  }
0x80: {  	_ =	shalt  }
0x81: {  	_ =	shalt  }
0x82: {  	_ =	shalt  }
0x83: {  	_ =	shalt  }
0x84: {  	_ =	shalt  }
0x85: {  	_ =	shalt  }
0x86: {  	_ =	shalt  }
0x87: {  	_ =	shalt  }
.Lfunc_end0:
.L_simem_size_0:
called_computation_lowered:
.L_overlay_start_0:
0x88: {  	s2 =	sld [smem:$0x3FD9]  }
0x89: {  	s3 =	sld [smem:$0x3FFE];
	_ =	sdelay $0x1  }
0x8a: {  	s1 =	srdreg.scid  }
0x8b: {  	s0 =	sand.u32 $0x1, s1  }
0x8c: {  	s17 =	sshll.u32 s0, $0xA;
	s2 =	sadd.s32 s3, s2  }
0x8d: {  	s2 =	sadd.s32 s2, s17  }
0x8e: {  	[smem:$0x3FC5] =	sst s2  }
0x8f: {  	_ = 	snop  }
0x90: {  	s2 =	sld [smem:$0x3FC9]  }
0x91: {  	s18 =	sld [smem:$0x3FC8]  }
0x92: {  	s4 =	sld [smem:$0x3FD0];
	(tm) =	ssettm $0x1  }
0x93: {  	s5 =	sld [smem:$0x3FFB];
	_ =	sdelay $0x3  }
0x94: {  	_ =	strace s5  }
0x95: {  	s5 =	sld [smem:$0x3FFC];
	_ =	sdelay $0x3  }
0x96: {  	_ =	strace s5  }
0x97: {  	s5 =	sld [smem:$0x3FFD];
	_ =	sdelay $0x3  }
0x98: {  	_ =	strace s5  }
0x99: {  	_ =	strace $0x8FFFFFFF  }
0x9a: {  	s19 =	sld [smem:$0x3FDB];
	_ =	sdelay $0x1  }
0x9b: {  	s6 =	simm.s32 $_scs_section_size  }
0x9c: {  	s7 =	simm.s32 $_size__tile_overlayer_lowered;
	s8 =	simm.s32 $_tile_overlayer_lowered  }
0x9d: {  	s22 =	simm.s32 $0x1BFF;
	s21 =	sshll.u32 s8, $0x1;
	s5 =	sadd.s32 s6, s19  }
0x9e: {  	s9 =	simm.s32 $0x0;
	s20 =	sshll.u32 s7, $0x1;
	s7 =	sadd.s32 s21, s5  }
0x9f: {  	[timem:s9], [sflag:s22] =	dma.local [hbm:s7], s20  }
0xa0: {  	_ =	swait.ge [sflag:s22], s20  }
0xa1: {  	s6 =	ssub.s32 $0x0, s20;
	[sflag:s22] =	ssyncset.done $0x0  }
0xa2: {  	[sflag:s22] =	ssyncadd.s32 s6;
	_ =	sdelay $0x1  }
0xa3: {  	s23 =	simm.s32 $0x1B8B  }
0xa4: {  	_ =	swait.ge [sflag:s23], $0x1  }
0xa5: {  	[sflag:s23] =	ssyncset.done $0x0  }
0xa6: {  	s25 =	simm.s32 $0x1B8E;
	s24 =	sld [smem:$0x3FFE];
	[sflag:s23] =	ssyncadd.s32 $0xFFFFFFFF  }
0xa7: {  	s26 =	simm.s32 $execute0_lowered;
	[smem:$0x3FD2] =	sst s25  }
0xa8: {  	s7 =	sshll.u32 s26, $0x1;
	_ =	strace $0x80000046;
	[dreg:$0x1] =	wrdreg $0xFFFFFFFF  }
0xa9: {  	s28 =	simm.s32 $_size_execute0_lowered;
	s5 =	sadd.s32 s5, s7;
	[dreg:$0x0] =	wrdreg $0x0  }
0xaa: {  	s7 =	sshll.u32 s28, $0x1;
	[dreg:$0x2] =	wrdreg s5  }
0xab: {  	[dreg:$0x3] =	wrdreg s7  }
0xac: {  	[dreg:$0x4] =	wrdreg $0xC0  }
0xad: {  	_ =	task [dreg:s9], $0x5FFFF  }
0xae: {  	[dreg:$0x1] =	wrdreg $0xFFFFFFFF  }
0xaf: {  	[dreg:$0x0] =	wrdreg $0x60  }
0xb0: {  	[dreg:$0x2] =	wrdreg s2  }
0xb1: {  	[dreg:$0x3] =	wrdreg s18  }
0xb2: {  	[dreg:$0x4] =	wrdreg s24  }
0xb3: {  	[dreg:$0x5] =	wrdreg s4  }
0xb4: {  	[dreg:$0x6] =	wrdreg $0x9  }
0xb5: {  	_ =	task.clear_ibuf [dreg:s9], $0x7FFFF;
	_ =	strace $0x90000046  }
0xb6: {  	s29 =	simm.s32 $0x9;
	_ =	strace $0x80000048  }
0xb7: {  	_ =	swait.ge [sflag:s29], $0x1  }
0xb8: {  	[sflag:s29] =	ssyncadd.s32 $0xFFFFFFFF  }
0xb9: {  	_ =	strace $0x90000048  }
0xba: {  	_ =	sfence  }
0xbb: {  	s30 =	sld [smem:$0x0];
	_ =	sdelay $0x2  }
0xbc: {  	s31 =	sshll.u32 s1, $0xD;
	s1 =	sshrl.u32 s1, $0x2  }
0xbd: {  	s3 =	sand.u32 $0x4000, s31;
	s1 =	sadd.s32 s1, s30  }
0xbe: {  	s0 =	sor.u32 s3, s0;
	s1 =	sshll.u32 s1, $0x11  }
0xbf: {  	s0 =	sor.u32 s1, s0  }
0xc0: {  	s0 =	sadd.s32 $0x8F2B, s0  }
0xc1: {  	[sflag:s0] =	ssyncadd.remote.s32 $0x1  }
0xc2: {  	_ =	sfence.sel $0xFFFF  }
0xc3: {  	[dreg:$0x0] =	wrdreg $0xFFFFFFFF;
	(pc) =	sbr.abs _section_cstart, $3  }
0xc4: {  	[dreg:$0x1] =	wrdreg $0xFFFFFFFF  }
0xc5: {  	_ =	task.clear_ibuf [dreg:s9], $0x2FFFF;
	_ =	strace $0x9FFFFFFF  }
0xc6: {  	(tm) =	ssettm $0x7FFFFFFF  }
0xc7: {  	_ =	shalt  }
tec
execute0_lowered:
.L_overlay_start_1:
0x0: {  	(tag) =	ssettag $0x1  }
0x1: {  	s0 =	rddreg [dreg:$0x0]  }
0x2: {  	s1 =	rddreg [dreg:$0x2]  }
0x3: {  	s2 =	rddreg [dreg:$0x3]  }
0x4: {  	s3 =	simm.s32 $0x0;
	s4 =	srdreg.scid;
	s6 =	stileid.u32  }
0x5: {  	s10 =	simm.s32 $0x80;
	s11 =	simm.s32 $0x810;
	s22 =	simm.s32 $0x6810  }
0x6: {  	s23 =	simm.s32 $0x380;
	s28 =	simm.s32 $0x480;
	s29 =	simm.s32 $0x9810  }
0x7: {  	s30 =	simm.s32 $0x500;
	s31 =	simm.s32 $0xA810;
	s9 =	simm.s32 $0xC810  }
0x8: {  	s12 =	simm.s32 $0x680;
	s13 =	simm.s32 $0xD810;
	s14 =	simm.s32 $0x700  }
0x9: {  	s15 =	simm.s32 $0xE810;
	s16 =	simm.s32 $0x780;
	s17 =	simm.s32 $0xF810  }
0xa: {  	s18 =	simm.s32 $0x1;
	s19 =	simm.s32 $0x0;
	s5 =	sand.u32 $0x1, s4  }
0xb: {  	[smem:$0x7FF] =	sst s3;
	s6 =	sshll.u32 s6, $0xC;
	s7 =	sshll.u32 s5, $0xB  }
0xc: {  	s4 =	sadd.s32 $0xC37200, s1;
	s24 =	ssub.s32 $0x2, s5;
	s25 =	sor.u32 s7, s6  }
0xd: {  	_ =	strace $0x80000047;
	s26 =	sshrl.u32 s24, $0x1;
	s7 =	sshrl.u32 s25, $0x3  }
0xe: {  	s8 =	sshll.u32 s25, $0x2;
	s1 =	ssub.s32 s24, s26;
	s24 =	simm.s32 $0x7810  }
0xf: {  	s25 =	simm.s32 $0x400;
	s26 =	simm.s32 $0x8810;
	s5 =	sadd.s32 s0, s7  }
0x10: {  	s6 =	sadd.s32 s2, s8;
	s7 =	smax.u32 s1, $0x1;
	s8 =	simm.s32 $0x2  }
0x11: {  	s0 =	simm.s32 $0x580;
	s2 =	simm.s32 $0xB810;
	s1 =	simm.s32 $0x600  }
.LBB2_1:
0x12: {  	[tilespmem:s3], [sflag:$0x2] =	stream.linear.gather [hbm4b:s5+s3], $0x800, $0x38;
	[tilespmem:$0x10810] =	vst v63  }
0x13: {  	_ =	swait.ge [sflag:s8], $0x800  }
0x14: {  	[sflag:s8] =	ssyncset.done $0x0  }
0x15: {  	[sflag:s8] =	ssyncadd.s32 $0xFFFFF800  }
0x16: {  	s21 =	simm.s32 $0x800;
	s20 =	rddreg [dreg:$0x1]  }
0x17: {  	[tilespmem:s21], [sflag:$0x2] =	stream.linear.gather [hbm4b:s20+s3], $0x10, $0x38;
	[tilespmem:$0x10810] =	vst v63  }
0x18: {  	_ =	swait.ge [sflag:s8], $0x10  }
0x19: {  	[sflag:s8] =	ssyncset.done $0x0  }
0x1a: {  	[sflag:s8] =	ssyncadd.s32 $0xFFFFFFF0  }
0x1b: {  	s20 =	simm.s32 $0x0;
	s21 =	simm.s32 $0x40;
	v0 =	vld [tilespmem:$0x800]  }
.LBB2_2:
0x1c: {  	p0 =	sne.s32 s21, $0x1FC0;
	v1 =	vld [tilespmem:s20+$0x0];
	_ =	sdelay $0x1  }
.Ltmp0:
0x1d: {  	(pc) =	sbr.rel @p0 .LBB2_2-.Ltmp0, $3  }
0x1e: {  	_ =	sdelay $0x1  }
0x1f: {  	v1 =	vadd.s32 v0, v1  }
0x20: {  	[tilespmem:s20+$0x0] =	vst v1;
	s20 =	sshra.s32 s21, $0x2;
	s21 =	sadd.s32 $0x40, s21  }
0x21: {  	v1 =	vld [tilespmem:s20+$0x0];
	_ =	sdelay $0x4  }
0x22: {  	v0 =	vadd.s32 v0, v1  }
0x23: {  	[tilespmem:s20+$0x0] =	vst v0  }
0x24: {  	[tilespmem:s11], [sflag:$0x1] =	stream.indirect.gather [hbm4b:s4+s10], $0x20, s3, s10, $0xb8;
	[tilespmem:$0x10810] =	vst v63  }
0x25: {  	s21 =	simm.s32 $0x1810  }
0x26: {  	[tilespmem:s21], [sflag:$0x1] =	stream.indirect.gather [hbm4b:s4+s10], $0x20, s10, s10, $0xb8;
	[tilespmem:$0x10810] =	vst v63  }
0x27: {  	s20 =	simm.s32 $0x100;
	s21 =	simm.s32 $0x2810  }
0x28: {  	[tilespmem:s21], [sflag:$0x1] =	stream.indirect.gather [hbm4b:s4+s10], $0x20, s20, s10, $0xb8;
	[tilespmem:$0x10810] =	vst v63  }
0x29: {  	s20 =	simm.s32 $0x180;
	s21 =	simm.s32 $0x3810  }
0x2a: {  	[tilespmem:s21], [sflag:$0x1] =	stream.indirect.gather [hbm4b:s4+s10], $0x20, s20, s10, $0xb8;
	[tilespmem:$0x10810] =	vst v63  }
0x2b: {  	s20 =	simm.s32 $0x200;
	s21 =	simm.s32 $0x4810  }
0x2c: {  	[tilespmem:s21], [sflag:$0x1] =	stream.indirect.gather [hbm4b:s4+s10], $0x20, s20, s10, $0xb8;
	[tilespmem:$0x10810] =	vst v63  }
0x2d: {  	s20 =	simm.s32 $0x280;
	s21 =	simm.s32 $0x5810  }
0x2e: {  	[tilespmem:s21], [sflag:$0x1] =	stream.indirect.gather [hbm4b:s4+s10], $0x20, s20, s10, $0xb8;
	[tilespmem:$0x10810] =	vst v63  }
0x2f: {  	s21 =	simm.s32 $0x300  }
0x30: {  	[tilespmem:s22], [sflag:$0x1] =	stream.indirect.gather [hbm4b:s4+s10], $0x20, s21, s10, $0xb8;
	[tilespmem:$0x10810] =	vst v63  }
0x31: {  	_ = 	snop  }
0x32: {  	[tilespmem:s24], [sflag:$0x1] =	stream.indirect.gather [hbm4b:s4+s10], $0x20, s23, s10, $0xb8;
	[tilespmem:$0x10810] =	vst v63  }
0x33: {  	_ = 	snop  }
0x34: {  	[tilespmem:s26], [sflag:$0x1] =	stream.indirect.gather [hbm4b:s4+s10], $0x20, s25, s10, $0xb8;
	[tilespmem:$0x10810] =	vst v63  }
0x35: {  	_ = 	snop  }
0x36: {  	[tilespmem:s29], [sflag:$0x1] =	stream.indirect.gather [hbm4b:s4+s10], $0x20, s28, s10, $0xb8;
	[tilespmem:$0x10810] =	vst v63  }
0x37: {  	_ = 	snop  }
0x38: {  	[tilespmem:s31], [sflag:$0x1] =	stream.indirect.gather [hbm4b:s4+s10], $0x20, s30, s10, $0xb8;
	[tilespmem:$0x10810] =	vst v63  }
0x39: {  	_ = 	snop  }
0x3a: {  	[tilespmem:s2], [sflag:$0x1] =	stream.indirect.gather [hbm4b:s4+s10], $0x20, s0, s10, $0xb8;
	[tilespmem:$0x10810] =	vst v63  }
0x3b: {  	_ = 	snop  }
0x3c: {  	[tilespmem:s9], [sflag:$0x1] =	stream.indirect.gather [hbm4b:s4+s10], $0x20, s1, s10, $0xb8;
	[tilespmem:$0x10810] =	vst v63  }
0x3d: {  	_ = 	snop  }
0x3e: {  	[tilespmem:s13], [sflag:$0x1] =	stream.indirect.gather [hbm4b:s4+s10], $0x20, s12, s10, $0xb8;
	[tilespmem:$0x10810] =	vst v63  }
0x3f: {  	_ = 	snop  }
0x40: {  	[tilespmem:s15], [sflag:$0x1] =	stream.indirect.gather [hbm4b:s4+s10], $0x20, s14, s10, $0xb8;
	[tilespmem:$0x10810] =	vst v63  }
0x41: {  	_ = 	snop  }
0x42: {  	[tilespmem:s17], [sflag:$0x1] =	stream.indirect.gather [hbm4b:s4+s10], $0x20, s16, s10, $0xb8;
	[tilespmem:$0x10810] =	vst v63  }
0x43: {  	_ =	swait.ge [sflag:s18], $0x1000  }
0x44: {  	[sflag:s18] =	ssyncset.done $0x0  }
0x45: {  	[sflag:s18] =	ssyncadd.s32 $0xFFFFF000  }
0x46: {  	_ =	swait.ge [sflag:s18], $0x1000  }
0x47: {  	[sflag:s18] =	ssyncset.done $0x0  }
0x48: {  	[sflag:s18] =	ssyncadd.s32 $0xFFFFF000  }
0x49: {  	_ =	swait.ge [sflag:s18], $0x1000  }
0x4a: {  	[sflag:s18] =	ssyncset.done $0x0  }
0x4b: {  	[sflag:s18] =	ssyncadd.s32 $0xFFFFF000  }
0x4c: {  	_ =	swait.ge [sflag:s18], $0x1000  }
0x4d: {  	[sflag:s18] =	ssyncset.done $0x0  }
0x4e: {  	[sflag:s18] =	ssyncadd.s32 $0xFFFFF000  }
0x4f: {  	_ =	swait.ge [sflag:s18], $0x1000  }
0x50: {  	[sflag:s18] =	ssyncset.done $0x0  }
0x51: {  	[sflag:s18] =	ssyncadd.s32 $0xFFFFF000  }
0x52: {  	_ =	swait.ge [sflag:s18], $0x1000  }
0x53: {  	[sflag:s18] =	ssyncset.done $0x0  }
0x54: {  	[sflag:s18] =	ssyncadd.s32 $0xFFFFF000  }
0x55: {  	_ =	swait.ge [sflag:s18], $0x1000  }
0x56: {  	[sflag:s18] =	ssyncset.done $0x0  }
0x57: {  	[sflag:s18] =	ssyncadd.s32 $0xFFFFF000  }
0x58: {  	_ =	swait.ge [sflag:s18], $0x1000  }
0x59: {  	[sflag:s18] =	ssyncset.done $0x0  }
0x5a: {  	[sflag:s18] =	ssyncadd.s32 $0xFFFFF000  }
0x5b: {  	_ =	swait.ge [sflag:s18], $0x1000  }
0x5c: {  	[sflag:s18] =	ssyncset.done $0x0  }
0x5d: {  	[sflag:s18] =	ssyncadd.s32 $0xFFFFF000  }
0x5e: {  	_ =	swait.ge [sflag:s18], $0x1000  }
0x5f: {  	[sflag:s18] =	ssyncset.done $0x0  }
0x60: {  	[sflag:s18] =	ssyncadd.s32 $0xFFFFF000  }
0x61: {  	_ =	swait.ge [sflag:s18], $0x1000  }
0x62: {  	[sflag:s18] =	ssyncset.done $0x0  }
0x63: {  	[sflag:s18] =	ssyncadd.s32 $0xFFFFF000  }
0x64: {  	_ =	swait.ge [sflag:s18], $0x1000  }
0x65: {  	[sflag:s18] =	ssyncset.done $0x0  }
0x66: {  	[sflag:s18] =	ssyncadd.s32 $0xFFFFF000  }
0x67: {  	_ =	swait.ge [sflag:s18], $0x1000  }
0x68: {  	[sflag:s18] =	ssyncset.done $0x0  }
0x69: {  	[sflag:s18] =	ssyncadd.s32 $0xFFFFF000  }
0x6a: {  	_ =	swait.ge [sflag:s18], $0x1000  }
0x6b: {  	[sflag:s18] =	ssyncset.done $0x0  }
0x6c: {  	[sflag:s18] =	ssyncadd.s32 $0xFFFFF000  }
0x6d: {  	_ =	swait.ge [sflag:s18], $0x1000  }
0x6e: {  	[sflag:s18] =	ssyncset.done $0x0  }
0x6f: {  	[sflag:s18] =	ssyncadd.s32 $0xFFFFF000  }
0x70: {  	s19 =	sadd.s32 $0x1, s19;
	_ =	swait.ge [sflag:s18], $0x1000  }
0x71: {  	p0 =	sne.s32 s19, s7;
	[sflag:s18] =	ssyncset.done $0x0  }
.Ltmp1:
0x72: {  	[sflag:s18] =	ssyncadd.s32 $0xFFFFF000;
	(pc) =	sbr.rel @p0 .LBB2_1-.Ltmp1, $4  }
0x73: {  	[hbm4b:s6+s3] =	stream.linear.scatter [tilespmem:s11], [sflag:$0x2], $0x10000, $0x38;
	[tilespmem:$0x10810] =	vst v63  }
0x74: {  	_ =	swait.ge [sflag:s8], $0x10000  }
0x75: {  	[sflag:s8] =	ssyncset.done $0x0  }
0x76: {  	[sflag:s8] =	ssyncadd.s32 $0xFFFF0000  }
0x77: {  	_ =	sfence.sel $0x180000  }
0x78: {  	[bflag:$0x0] =	sbarrier.arrive $0xFFFF  }
0x79: {  	_ =	strace $0x90000047  }
0x7a: {  	s0 =	stileid.u32;
	[bflag:$0x2] =	sbarrier.arrive $0xFFFF  }
0x7b: {  	p0 =	sne.s32 s0, $0x0;
	s0 =	rddreg [dreg:$0x4]  }
0x7c: {  	s0 =	sadd.s32 @!p0 $0x100000, s0  }
0x7d: {  	[sflag:s0] =	ssyncadd.tile.s32 @!p0 $0x1;
	_ =	shalt  }
.Lfunc_end2:
_tile_overlayer_lowered:
.L_overlay_start_2:
0x7e: {  	(tag) =	ssettag $0x2  }
0x7f: {  	s0 =	rddreg [dreg:$0x0];
	s2 =	stileid.u32  }
0x80: {  	s1 =	rddreg [dreg:$0x1];
	p0 =	sne.s32 s2, $0x0  }
0x81: {  	s3 =	rddreg [dreg:$0x2];
	[bflag:$0x3] =	sbarrier.arrive $0xFFFF;
	s2 =	simm.s32 @!p0 $0x1C02  }
0x82: {  	[timem:s3], [sflag:s2] =	dma.local @!p0 [hbm:s0], s1  }
0x83: {  	s0 =	simm.s32 @!p0 $0x2  }
0x84: {  	_ =	swait.ge @!p0 [sflag:s0], s1  }
0x85: {  	s1 =	ssub.s32 @!p0 $0x0, s1;
	[sflag:s0] =	ssyncset.done @!p0 $0x0  }
0x86: {  	[sflag:s0] =	ssyncadd.s32 @!p0 s1  }
0x87: {  	[bflag:$0x3] =	sbarrier.arrive $0xFFFF  }
0x88: {  	_ =	shalt  }

</sc_bundles>
